<compile_context>
chip_gen: v7x
topology: tpu7x:2x2x1
jax: 0.10.2.dev20260603
libtpu: 0.0.44.dev20260713+nightly
codegen_flags: <defaults>
</compile_context>

<pallas_src>
import functools

import jax
import jax.numpy as jnp
from jax import lax
from jax.experimental import pallas as pl
from jax.experimental.pallas import tpu as pltpu
from jax.experimental.pallas import tpu_sc as plsc

D = 128
N_NODES = 10000
N_EDGES = 160000
N_LAYERS = 2

_NC = 2
_NS = 16
_NW = _NC * _NS
_CHUNK = 128
_ROWS = N_EDGES // _CHUNK
_ROWS_PAD = 1280
_ROWS_PER_W = _ROWS_PAD // _NW
_N_PAD = 10240


def _degree_counts_sc(edst_rows, zeros_row):
    mesh = plsc.VectorSubcoreMesh(core_axis_name="c", subcore_axis_name="s",
                                  num_cores=_NC, num_subcores=_NS)

    @functools.partial(
        pl.kernel,
        out_type=jax.ShapeDtypeStruct((_NC, _N_PAD), jnp.float32),
        mesh=mesh,
        scratch_types=[
            pltpu.VMEM((_ROWS_PER_W, _CHUNK), jnp.int32),
            pltpu.VMEM((_CHUNK,), jnp.float32),
            pltpu.VMEM_SHARED((_N_PAD,), jnp.float32),
            pltpu.SemaphoreType.DMA,
        ],
    )
    def hist_kernel(edst_hbm, zeros_hbm, out_hbm, idx_v, ones_v, shared, sem):
        cid = lax.axis_index("c")
        sid = lax.axis_index("s")
        wid = sid * _NC + cid

        for k16 in range(_CHUNK // 16):
            ones_v[pl.ds(k16 * 16, 16)] = jnp.full((16,), 1.0, jnp.float32)

        PROBE_SKIP = True

        pltpu.sync_copy(edst_hbm.at[pl.ds(wid * _ROWS_PER_W, _ROWS_PER_W)], idx_v)

        @pl.when(sid == 0)
        def _zero():
            pltpu.sync_copy(zeros_hbm, shared)

        plsc.subcore_barrier()

        if not PROBE_SKIP:
            def fire(j, carry):
                pltpu.async_copy(ones_v, shared.at[idx_v.at[j]], sem, add=True)
                return carry

            lax.fori_loop(0, _ROWS_PER_W, fire, 0)

            def drain(j, carry):
                pltpu.make_async_copy(ones_v, shared.at[idx_v.at[0]], sem).wait()
                return carry

            lax.fori_loop(0, _ROWS_PER_W, drain, 0)

        plsc.subcore_barrier()

        @pl.when(sid == 0)
        def _flush():
            pltpu.sync_copy(shared, out_hbm.at[cid])

    return hist_kernel(edst_rows, zeros_row)


_BLK = 2048


def _node_update_body(h_ref, cnt_ref,
                      sW0, sb0, dW0, db0, lW0, lb0,
                      sW1, sb1, dW1, db1, lW1, lb1,
                      o_ref):
    ones2 = jnp.ones((2, 1), jnp.float32)
    csum = lax.dot_general(cnt_ref[...], ones2,
                           dimension_numbers=(((0,), (0,)), ((), ())),
                           preferred_element_type=jnp.float32)
    m = (csum > 0.0).astype(jnp.float32)
    x = h_ref[...]
    for (sW, sb, dW, db, lW, lb) in (
            (sW0, sb0, dW0, db0, lW0, lb0),
            (sW1, sb1, dW1, db1, lW1, lb1)):
        g = (jnp.dot(x, sW[...], preferred_element_type=jnp.float32) + sb[...]
             + m * (jnp.dot(x, dW[...], preferred_element_type=jnp.float32) + db[...]))
        g = g * jax.nn.sigmoid(g) + x
        x = jnp.dot(g, lW[...], preferred_element_type=jnp.float32) + lb[...]
    o_ref[...] = x


def _node_update_tc(h, counts, wts, interpret=False):
    n_blk = (N_NODES + _BLK - 1) // _BLK
    row_spec = pl.BlockSpec((_BLK, D), lambda i: (i, 0))
    cnt_spec = pl.BlockSpec((_NC, _BLK), lambda i: (0, i))
    mat_spec = pl.BlockSpec((D, D), lambda i: (0, 0))
    vec_spec = pl.BlockSpec((1, D), lambda i: (0, 0))
    wt_specs = [mat_spec, vec_spec, mat_spec, vec_spec, mat_spec, vec_spec] * N_LAYERS
    return pl.pallas_call(
        _node_update_body,
        grid=(n_blk,),
        in_specs=[row_spec, cnt_spec] + wt_specs,
        out_specs=row_spec,
        out_shape=jax.ShapeDtypeStruct((N_NODES, D), jnp.float32),
        interpret=interpret,
    )(h, counts, *wts)


def kernel(node_feats, edge_feats, triplet_feats, edge_index, line_edge_index, params):
    edst_rows = jnp.pad(edge_index[1].reshape(_ROWS, _CHUNK),
                        ((0, _ROWS_PAD - _ROWS), (0, 0)),
                        constant_values=N_NODES)
    zeros_row = jnp.zeros((_N_PAD,), jnp.float32)

    counts = _degree_counts_sc(edst_rows, zeros_row)

    wts = []
    for i in range(N_LAYERS):
        p = params['edge'][i]
        wts += [p['gsrc_W'], p['gsrc_b'].reshape(1, D),
                p['gdst_W'], p['gdst_b'].reshape(1, D),
                p['lin_W'], p['lin_b'].reshape(1, D)]

    return _node_update_tc(node_feats, counts, wts)

# --- scband reference (transcript-rebuilt; emitter-appended) ---
"""Pipeline reference for scband-alignns-50027779064051 (READ-ONLY COPY).

The authoritative reference and input builder live on the scoring server;
editing this copy changes nothing except your own understanding.
"""

import jax, jax.numpy as jnp
import numpy as np

D = 128
N_NODES = 10000
N_EDGES = 160000
N_TRIPLETS = 480000
N_LAYERS = 2


def _linear_params(key, fan_in, fan_out):
    k1, k2 = jax.random.split(key)
    s = 1.0 / np.sqrt(fan_in)
    W = jax.random.uniform(k1, (fan_in, fan_out), minval=-s, maxval=s, dtype=jnp.float32)
    b = jax.random.uniform(k2, (fan_out,), minval=-s, maxval=s, dtype=jnp.float32)
    return W, b


def _egcn_params(key, d):
    ks = jax.random.split(key, 5)
    p = {}
    p['upd_W'], p['upd_b'] = _linear_params(ks[0], 3 * d, d)
    p['act_W'], p['act_b'] = _linear_params(ks[1], d, d)
    p['gdst_W'], p['gdst_b'] = _linear_params(ks[2], d, d)
    p['gsrc_W'], p['gsrc_b'] = _linear_params(ks[3], d, d)
    p['lin_W'], p['lin_b'] = _linear_params(ks[4], d, d)
    return p


def setup_inputs(seed: int = 0):
    key = jax.random.key(seed)
    ks = jax.random.split(key, 9)
    node_feats = jax.random.normal(ks[0], (N_NODES, D), dtype=jnp.float32)
    edge_feats = jax.random.normal(ks[1], (N_EDGES, D), dtype=jnp.float32)
    triplet_feats = jax.random.normal(ks[2], (N_TRIPLETS, D), dtype=jnp.float32)
    edge_index = jax.random.randint(ks[3], (2, N_EDGES), 0, N_NODES, dtype=jnp.int32)
    line_edge_index = jax.random.randint(ks[4], (2, N_TRIPLETS), 0, N_EDGES, dtype=jnp.int32)
    params = {
        'line': [_egcn_params(ks[5 + i], D) for i in range(N_LAYERS)],
        'edge': [_egcn_params(ks[7 + i], D) for i in range(N_LAYERS)],
    }
    return {'node_feats': node_feats, 'edge_feats': edge_feats, 'triplet_feats': triplet_feats,
            'edge_index': edge_index, 'line_edge_index': line_edge_index, 'params': params}


def _silu(x):
    return x * jax.nn.sigmoid(x)


def _edge_softmax(a, dst, n):
    amax = jax.ops.segment_max(a, dst, num_segments=n)
    ex = jnp.exp(a - amax[dst])
    asum = jax.ops.segment_sum(ex, dst, num_segments=n)
    return ex / asum[dst]


def _egcn(p, src, dst, h, e, n):
    # update_func: e = upd_linear(cat([h_src, h_dst, e])); Identity norm; silu; no residual
    cat = jnp.concatenate([h[src], h[dst], e], axis=1)
    e1 = cat @ p['upd_W'] + p['upd_b']
    e2 = _silu(e1)
    # attention logits + edge softmax over destination nodes
    a = e2 @ p['act_W'] + p['act_b']
    a = _edge_softmax(a, dst, n)
    # gating message: a * gating_dst_linear(h[dst]); reduce-sum at dst
    wdst = h @ p['gdst_W'] + p['gdst_b']
    msg = a * wdst[dst]
    agg = jax.ops.segment_sum(msg, dst, num_segments=n)
    h2 = (h @ p['gsrc_W'] + p['gsrc_b']) + agg
    # Identity gating_norm; activation; residual add; final linear
    h2 = _silu(h2)
    h2 = h2 + h
    h2 = h2 @ p['lin_W'] + p['lin_b']
    return h2, e2


def reference(node_feats, edge_feats, triplet_feats, edge_index, line_edge_index, params):
    esrc, edst = edge_index[0], edge_index[1]
    lsrc, ldst = line_edge_index[0], line_edge_index[1]
    h, ef, tf = node_feats, edge_feats, triplet_feats
    for i in range(N_LAYERS):
        ef, tf = _egcn(params['line'][i], lsrc, ldst, ef, tf, N_EDGES)
        h, ef = _egcn(params['edge'][i], esrc, edst, h, ef, N_NODES)
    return h

if __name__ == "__main__":
    import jax
    _d = setup_inputs()
    print(jax.jit(kernel)(*tuple(_d.values())))

</pallas_src>

<mosaic_0001>
#map = affine_map<(d0, d1) -> (0, 0)>
#map1 = affine_map<(d0, d1) -> (0)>
module attributes {stable_mosaic.version = 14 : i64} {
  func.func @hist_kernel(%arg0: i32, %arg1: i32, %arg2: memref<1280x128xi32, #tpu.memory_space<hbm>>, %arg3: memref<10240xf32, #tpu.memory_space<hbm>>, %arg4: memref<2x10240xf32, #tpu.memory_space<hbm>>, %arg5: memref<40x128xi32, #tpu.memory_space<vmem>>, %arg6: memref<128xf32, #tpu.memory_space<vmem>>, %arg7: memref<10240xf32, #tpu.memory_space<vmem_shared>>, %arg8: memref<!tpu.dma_semaphore, #tpu.memory_space<semaphore_mem>>) attributes {dimension_semantics = [#tpu.dimension_semantics<core_parallel>, #tpu.dimension_semantics<subcore_parallel>], iteration_bounds = array<i64: 2, 16>, scalar_prefetch = 0 : i64, scratch_operands = 4 : i64, tpu.core_type = #tpu.core_type<sc_vector_subcore>, window_params = [{transform_indices = #map}, {transform_indices = #map1}, {transform_indices = #map}]} {
    %mul3A = arith.constant 2 : i32
    %mul3A_0 = arith.muli %arg1, %mul3A : i32
    %add3A = arith.addi %mul3A_0, %arg0 : i32
    %broadcast_in_dim3A = arith.constant 1.000000e+00 : f32
    %broadcast_in_dim3A_1 = vector.broadcast %broadcast_in_dim3A : f32 to vector<16xf32>
    %swap3A = arith.constant 0 : index
    %swap3A_2 = tpu.vector_load %arg6[%swap3A] {strides = array<i32>} : memref<128xf32, #tpu.memory_space<vmem>>, vector<16xf32>,
    %swap3A_3 = vector.shape_cast %swap3A_2 : vector<16xf32> to vector<16xf32>
    %swap3A_4 = vector.shape_cast %broadcast_in_dim3A_1 : vector<16xf32> to vector<16xf32>
    tpu.vector_store %arg6[%swap3A], %swap3A_4 {strides = array<i32>} : memref<128xf32, #tpu.memory_space<vmem>>, vector<16xf32>,
    %broadcast_in_dim3A_5 = arith.constant 1.000000e+00 : f32
    %broadcast_in_dim3A_6 = vector.broadcast %broadcast_in_dim3A_5 : f32 to vector<16xf32>
    %swap3A_7 = arith.constant 16 : index
    %swap3A_8 = tpu.vector_load %arg6[%swap3A_7] {strides = array<i32>} : memref<128xf32, #tpu.memory_space<vmem>>, vector<16xf32>,
    %swap3A_9 = vector.shape_cast %swap3A_8 : vector<16xf32> to vector<16xf32>
    %swap3A_10 = vector.shape_cast %broadcast_in_dim3A_6 : vector<16xf32> to vector<16xf32>
    tpu.vector_store %arg6[%swap3A_7], %swap3A_10 {strides = array<i32>} : memref<128xf32, #tpu.memory_space<vmem>>, vector<16xf32>,
    %broadcast_in_dim3A_11 = arith.constant 1.000000e+00 : f32
    %broadcast_in_dim3A_12 = vector.broadcast %broadcast_in_dim3A_11 : f32 to vector<16xf32>
    %swap3A_13 = arith.constant 32 : index
    %swap3A_14 = tpu.vector_load %arg6[%swap3A_13] {strides = array<i32>} : memref<128xf32, #tpu.memory_space<vmem>>, vector<16xf32>,
    %swap3A_15 = vector.shape_cast %swap3A_14 : vector<16xf32> to vector<16xf32>
    %swap3A_16 = vector.shape_cast %broadcast_in_dim3A_12 : vector<16xf32> to vector<16xf32>
    tpu.vector_store %arg6[%swap3A_13], %swap3A_16 {strides = array<i32>} : memref<128xf32, #tpu.memory_space<vmem>>, vector<16xf32>,
    %broadcast_in_dim3A_17 = arith.constant 1.000000e+00 : f32
    %broadcast_in_dim3A_18 = vector.broadcast %broadcast_in_dim3A_17 : f32 to vector<16xf32>
    %swap3A_19 = arith.constant 48 : index
    %swap3A_20 = tpu.vector_load %arg6[%swap3A_19] {strides = array<i32>} : memref<128xf32, #tpu.memory_space<vmem>>, vector<16xf32>,
    %swap3A_21 = vector.shape_cast %swap3A_20 : vector<16xf32> to vector<16xf32>
    %swap3A_22 = vector.shape_cast %broadcast_in_dim3A_18 : vector<16xf32> to vector<16xf32>
    tpu.vector_store %arg6[%swap3A_19], %swap3A_22 {strides = array<i32>} : memref<128xf32, #tpu.memory_space<vmem>>, vector<16xf32>,
    %broadcast_in_dim3A_23 = arith.constant 1.000000e+00 : f32
    %broadcast_in_dim3A_24 = vector.broadcast %broadcast_in_dim3A_23 : f32 to vector<16xf32>
    %swap3A_25 = arith.constant 64 : index
    %swap3A_26 = tpu.vector_load %arg6[%swap3A_25] {strides = array<i32>} : memref<128xf32, #tpu.memory_space<vmem>>, vector<16xf32>,
    %swap3A_27 = vector.shape_cast %swap3A_26 : vector<16xf32> to vector<16xf32>
    %swap3A_28 = vector.shape_cast %broadcast_in_dim3A_24 : vector<16xf32> to vector<16xf32>
    tpu.vector_store %arg6[%swap3A_25], %swap3A_28 {strides = array<i32>} : memref<128xf32, #tpu.memory_space<vmem>>, vector<16xf32>,
    %broadcast_in_dim3A_29 = arith.constant 1.000000e+00 : f32
    %broadcast_in_dim3A_30 = vector.broadcast %broadcast_in_dim3A_29 : f32 to vector<16xf32>
    %swap3A_31 = arith.constant 80 : index
    %swap3A_32 = tpu.vector_load %arg6[%swap3A_31] {strides = array<i32>} : memref<128xf32, #tpu.memory_space<vmem>>, vector<16xf32>,
    %swap3A_33 = vector.shape_cast %swap3A_32 : vector<16xf32> to vector<16xf32>
    %swap3A_34 = vector.shape_cast %broadcast_in_dim3A_30 : vector<16xf32> to vector<16xf32>
    tpu.vector_store %arg6[%swap3A_31], %swap3A_34 {strides = array<i32>} : memref<128xf32, #tpu.memory_space<vmem>>, vector<16xf32>,
    %broadcast_in_dim3A_35 = arith.constant 1.000000e+00 : f32
    %broadcast_in_dim3A_36 = vector.broadcast %broadcast_in_dim3A_35 : f32 to vector<16xf32>
    %swap3A_37 = arith.constant 96 : index
    %swap3A_38 = tpu.vector_load %arg6[%swap3A_37] {strides = array<i32>} : memref<128xf32, #tpu.memory_space<vmem>>, vector<16xf32>,
    %swap3A_39 = vector.shape_cast %swap3A_38 : vector<16xf32> to vector<16xf32>
    %swap3A_40 = vector.shape_cast %broadcast_in_dim3A_36 : vector<16xf32> to vector<16xf32>
    tpu.vector_store %arg6[%swap3A_37], %swap3A_40 {strides = array<i32>} : memref<128xf32, #tpu.memory_space<vmem>>, vector<16xf32>,
    %broadcast_in_dim3A_41 = arith.constant 1.000000e+00 : f32
    %broadcast_in_dim3A_42 = vector.broadcast %broadcast_in_dim3A_41 : f32 to vector<16xf32>
    %swap3A_43 = arith.constant 112 : index
    %swap3A_44 = tpu.vector_load %arg6[%swap3A_43] {strides = array<i32>} : memref<128xf32, #tpu.memory_space<vmem>>, vector<16xf32>,
    %swap3A_45 = vector.shape_cast %swap3A_44 : vector<16xf32> to vector<16xf32>
    %swap3A_46 = vector.shape_cast %broadcast_in_dim3A_42 : vector<16xf32> to vector<16xf32>
    tpu.vector_store %arg6[%swap3A_43], %swap3A_46 {strides = array<i32>} : memref<128xf32, #tpu.memory_space<vmem>>, vector<16xf32>,
    %mul3A_47 = arith.constant 40 : i32
    %mul3A_48 = arith.muli %add3A, %mul3A_47 : i32
    "tpu.region"() ({
      %run_scoped3A = tpu.sem_alloc : memref<!tpu.dma_semaphore, #tpu.memory_space<semaphore_mem>>
      %dma_start3A = arith.constant 0 : i32
      %dma_start3A_57 = tpu.memref_slice %arg2[%mul3A_48, %dma_start3A] : memref<1280x128xi32, #tpu.memory_space<hbm>> -> memref<40x128xi32, #tpu.memory_space<hbm>>
      %dma_start3A_58 = arith.constant 0 : i32
      %dma_start3A_59 = tpu.memref_slice %arg2[%mul3A_48, %dma_start3A_58] : memref<1280x128xi32, #tpu.memory_space<hbm>> -> memref<40x128xi32, #tpu.memory_space<hbm>>
      tpu.enqueue_dma source(%dma_start3A_59 : memref<40x128xi32, #tpu.memory_space<hbm>>) target(%arg5 : memref<40x128xi32, #tpu.memory_space<vmem>>) target_semaphore(%run_scoped3A : memref<!tpu.dma_semaphore, #tpu.memory_space<semaphore_mem>>)
      %dma_wait3A = arith.constant 0 : i32
      %dma_wait3A_60 = tpu.memref_slice %arg2[%mul3A_48, %dma_wait3A] : memref<1280x128xi32, #tpu.memory_space<hbm>> -> memref<40x128xi32, #tpu.memory_space<hbm>>
      %dma_wait3A_61 = arith.constant 0 : i32
      %dma_wait3A_62 = tpu.memref_slice %arg2[%mul3A_48, %dma_wait3A_61] : memref<1280x128xi32, #tpu.memory_space<hbm>> -> memref<40x128xi32, #tpu.memory_space<hbm>>
      tpu.wait_dma2 semaphore(%run_scoped3A : memref<!tpu.dma_semaphore, #tpu.memory_space<semaphore_mem>>) src(%dma_wait3A_62 : memref<40x128xi32, #tpu.memory_space<hbm>>) dst(%arg5 : memref<40x128xi32, #tpu.memory_space<vmem>>)
      tpu.yield
    }) : () -> ()
    %eq3A = arith.constant 0 : i32
    %eq3A_49 = arith.cmpi eq, %arg1, %eq3A : i32
    %convert_element_type3A = arith.extui %eq3A_49 : i1 to i32
    %cond3A = arith.constant 0 : i32
    %cond3A_50 = arith.cmpi ne, %convert_element_type3A, %cond3A : i32
    scf.if %cond3A_50 {
      "tpu.region"() ({
        %run_scoped3A = tpu.sem_alloc : memref<!tpu.dma_semaphore, #tpu.memory_space<semaphore_mem>>
        tpu.enqueue_dma source(%arg3 : memref<10240xf32, #tpu.memory_space<hbm>>) target(%arg7 : memref<10240xf32, #tpu.memory_space<vmem_shared>>) target_semaphore(%run_scoped3A : memref<!tpu.dma_semaphore, #tpu.memory_space<semaphore_mem>>)
        tpu.wait_dma2 semaphore(%run_scoped3A : memref<!tpu.dma_semaphore, #tpu.memory_space<semaphore_mem>>) src(%arg3 : memref<10240xf32, #tpu.memory_space<hbm>>) dst(%arg7 : memref<10240xf32, #tpu.memory_space<vmem_shared>>)
        tpu.yield
      }) : () -> ()
    } else {
    }
    %barrier3A = arith.constant 0 : index
    tpu.barrier barrier_id(%barrier3A)
    %barrier3A_51 = arith.constant 0 : index
    tpu.barrier barrier_id(%barrier3A_51)
    %eq3A_52 = arith.constant 0 : i32
    %eq3A_53 = arith.cmpi eq, %arg1, %eq3A_52 : i32
    %convert_element_type3A_54 = arith.extui %eq3A_53 : i1 to i32
    %cond3A_55 = arith.constant 0 : i32
    %cond3A_56 = arith.cmpi ne, %convert_element_type3A_54, %cond3A_55 : i32
    scf.if %cond3A_56 {
      "tpu.region"() ({
        %run_scoped3A = tpu.sem_alloc : memref<!tpu.dma_semaphore, #tpu.memory_space<semaphore_mem>>
        %dma_start3A = arith.constant 0 : i32
        %dma_start3A_57 = tpu.memref_slice %arg4[%arg0, %dma_start3A] : memref<2x10240xf32, #tpu.memory_space<hbm>> -> memref<1x10240xf32, #tpu.memory_space<hbm>>
        %dma_start3A_58 = tpu.memref_squeeze %dma_start3A_57 : memref<1x10240xf32, #tpu.memory_space<hbm>> -> memref<10240xf32, #tpu.memory_space<hbm>>
        tpu.enqueue_dma source(%arg7 : memref<10240xf32, #tpu.memory_space<vmem_shared>>) target(%dma_start3A_58 : memref<10240xf32, #tpu.memory_space<hbm>>) target_semaphore(%run_scoped3A : memref<!tpu.dma_semaphore, #tpu.memory_space<semaphore_mem>>)
        %dma_wait3A = arith.constant 0 : i32
        %dma_wait3A_59 = tpu.memref_slice %arg4[%arg0, %dma_wait3A] : memref<2x10240xf32, #tpu.memory_space<hbm>> -> memref<1x10240xf32, #tpu.memory_space<hbm>>
        %dma_wait3A_60 = tpu.memref_squeeze %dma_wait3A_59 : memref<1x10240xf32, #tpu.memory_space<hbm>> -> memref<10240xf32, #tpu.memory_space<hbm>>
        tpu.wait_dma2 semaphore(%run_scoped3A : memref<!tpu.dma_semaphore, #tpu.memory_space<semaphore_mem>>) src(%arg7 : memref<10240xf32, #tpu.memory_space<vmem_shared>>) dst(%dma_wait3A_60 : memref<10240xf32, #tpu.memory_space<hbm>>)
        tpu.yield
      }) : () -> ()
    } else {
    }
    return
  }
}

module attributes {stable_mosaic.version = 14 : i64} {
  func.func @_node_update_body(%arg0: i32, %arg1: memref<2048x128xf32, #tpu.memory_space<vmem>>, %arg2: memref<2x2048xf32, #tpu.memory_space<vmem>>, %arg3: memref<128x128xf32, #tpu.memory_space<vmem>>, %arg4: memref<1x128xf32, #tpu.memory_space<vmem>>, %arg5: memref<128x128xf32, #tpu.memory_space<vmem>>, %arg6: memref<1x128xf32, #tpu.memory_space<vmem>>, %arg7: memref<128x128xf32, #tpu.memory_space<vmem>>, %arg8: memref<1x128xf32, #tpu.memory_space<vmem>>, %arg9: memref<128x128xf32, #tpu.memory_space<vmem>>, %arg10: memref<1x128xf32, #tpu.memory_space<vmem>>, %arg11: memref<128x128xf32, #tpu.memory_space<vmem>>, %arg12: memref<1x128xf32, #tpu.memory_space<vmem>>, %arg13: memref<128x128xf32, #tpu.memory_space<vmem>>, %arg14: memref<1x128xf32, #tpu.memory_space<vmem>>, %arg15: memref<2048x128xf32, #tpu.memory_space<vmem>>) attributes {dimension_semantics = [#tpu.dimension_semantics<arbitrary>], iteration_bounds = array<i64: 5>, scalar_prefetch = 0 : i64, scratch_operands = 0 : i64, tpu.core_type = #tpu.core_type<tc>, window_params = [{transform_indices = @transform_0, window_bounds = array<i64: 2048, 128>}, {transform_indices = @transform_1, window_bounds = array<i64: 2, 2048>}, {pipeline_mode = #tpu.pipeline_mode<synchronous>, transform_indices = @transform_2, window_bounds = array<i64: 128, 128>}, {pipeline_mode = #tpu.pipeline_mode<synchronous>, transform_indices = @transform_3, window_bounds = array<i64: 1, 128>}, {pipeline_mode = #tpu.pipeline_mode<synchronous>, transform_indices = @transform_4, window_bounds = array<i64: 128, 128>}, {pipeline_mode = #tpu.pipeline_mode<synchronous>, transform_indices = @transform_5, window_bounds = array<i64: 1, 128>}, {pipeline_mode = #tpu.pipeline_mode<synchronous>, transform_indices = @transform_6, window_bounds = array<i64: 128, 128>}, {pipeline_mode = #tpu.pipeline_mode<synchronous>, transform_indices = @transform_7, window_bounds = array<i64: 1, 128>}, {pipeline_mode = #tpu.pipeline_mode<synchronous>, transform_indices = @transform_8, window_bounds = array<i64: 128, 128>}, {pipeline_mode = #tpu.pipeline_mode<synchronous>, transform_indices = @transform_9, window_bounds = array<i64: 1, 128>}, {pipeline_mode = #tpu.pipeline_mode<synchronous>, transform_indices = @transform_10, window_bounds = array<i64: 128, 128>}, {pipeline_mode = #tpu.pipeline_mode<synchronous>, transform_indices = @transform_11, window_bounds = array<i64: 1, 128>}, {pipeline_mode = #tpu.pipeline_mode<synchronous>, transform_indices = @transform_12, window_bounds = array<i64: 128, 128>}, {pipeline_mode = #tpu.pipeline_mode<synchronous>, transform_indices = @transform_13, window_bounds = array<i64: 1, 128>}, {transform_indices = @transform_14, window_bounds = array<i64: 2048, 128>}]} {
    %broadcast_in_dim3A = arith.constant 1.000000e+00 : f32
    %broadcast_in_dim3A_0 = vector.broadcast %broadcast_in_dim3A : f32 to vector<2x1xf32>
    %get3A = arith.constant 0 : index
    %get3A_1 = arith.constant 0 : index
    %get3A_2 = vector.load %arg2[%get3A, %get3A_1] : memref<2x2048xf32, #tpu.memory_space<vmem>>, vector<2x2048xf32>
    %dot_general3A = arith.constant dense<0.000000e+00> : vector<2048x1xf32>
    %dot_general3A_3 = tpu.matmul %get3A_2, %broadcast_in_dim3A_0, %dot_general3A {dimension_numbers = #tpu.dot_dimension_numbers<[0], [0], [1], [1], [0, 1, 1, 1], [], []>, transpose_lhs_hint = false} : vector<2x2048xf32>, vector<2x1xf32>, vector<2048x1xf32> -> vector<2048x1xf32>
    %gt3A = arith.constant 0.000000e+00 : f32
    %gt3A_4 = vector.broadcast %gt3A : f32 to vector<2048x1xf32>
    %gt3A_5 = arith.cmpf ogt, %dot_general3A_3, %gt3A_4 : vector<2048x1xf32>
    %convert_element_type3A = arith.extui %gt3A_5 : vector<2048x1xi1> to vector<2048x1xi32>
    %convert_element_type3A_6 = arith.sitofp %convert_element_type3A : vector<2048x1xi32> to vector<2048x1xf32>
    %get3A_7 = arith.constant 0 : index
    %get3A_8 = arith.constant 0 : index
    %get3A_9 = vector.load %arg1[%get3A_7, %get3A_8] : memref<2048x128xf32, #tpu.memory_space<vmem>>, vector<2048x128xf32>
    %get3A_10 = arith.constant 0 : index
    %get3A_11 = arith.constant 0 : index
    %get3A_12 = vector.load %arg3[%get3A_10, %get3A_11] : memref<128x128xf32, #tpu.memory_space<vmem>>, vector<128x128xf32>
    %dot_general3A_13 = arith.constant dense<0.000000e+00> : vector<2048x128xf32>
    %dot_general3A_14 = tpu.matmul %get3A_9, %get3A_12, %dot_general3A_13 {dimension_numbers = #tpu.dot_dimension_numbers<[1], [0], [0], [1], [0, 0, 1, 1], [], []>, transpose_lhs_hint = false} : vector<2048x128xf32>, vector<128x128xf32>, vector<2048x128xf32> -> vector<2048x128xf32>
    %get3A_15 = arith.constant 0 : index
    %get3A_16 = arith.constant 0 : index
    %get3A_17 = vector.load %arg4[%get3A_15, %get3A_16] : memref<1x128xf32, #tpu.memory_space<vmem>>, vector<1x128xf32>
    %add3A = vector.broadcast %get3A_17 : vector<1x128xf32> to vector<2048x128xf32>
    %add3A_18 = arith.addf %dot_general3A_14, %add3A : vector<2048x128xf32>
    %get3A_19 = arith.constant 0 : index
    %get3A_20 = arith.constant 0 : index
    %get3A_21 = vector.load %arg5[%get3A_19, %get3A_20] : memref<128x128xf32, #tpu.memory_space<vmem>>, vector<128x128xf32>
    %dot_general3A_22 = arith.constant dense<0.000000e+00> : vector<2048x128xf32>
    %dot_general3A_23 = tpu.matmul %get3A_9, %get3A_21, %dot_general3A_22 {dimension_numbers = #tpu.dot_dimension_numbers<[1], [0], [0], [1], [0, 0, 1, 1], [], []>, transpose_lhs_hint = false} : vector<2048x128xf32>, vector<128x128xf32>, vector<2048x128xf32> -> vector<2048x128xf32>
    %get3A_24 = arith.constant 0 : index
    %get3A_25 = arith.constant 0 : index
    %get3A_26 = vector.load %arg6[%get3A_24, %get3A_25] : memref<1x128xf32, #tpu.memory_space<vmem>>, vector<1x128xf32>
    %add3A_27 = vector.broadcast %get3A_26 : vector<1x128xf32> to vector<2048x128xf32>
    %add3A_28 = arith.addf %dot_general3A_23, %add3A_27 : vector<2048x128xf32>
    %mul3A = vector.broadcast %convert_element_type3A_6 : vector<2048x1xf32> to vector<2048x128xf32>
    %mul3A_29 = arith.mulf %mul3A, %add3A_28 : vector<2048x128xf32>
    %add3A_30 = arith.addf %add3A_18, %mul3A_29 : vector<2048x128xf32>
    %logistic3A = arith.negf %add3A_30 : vector<2048x128xf32>
    %logistic3A_31 = math.exp %logistic3A : vector<2048x128xf32>
    %logistic3A_32 = arith.constant 1.000000e+00 : f32
    %logistic3A_33 = vector.broadcast %logistic3A_32 : f32 to vector<2048x128xf32>
    %logistic3A_34 = arith.addf %logistic3A_33, %logistic3A_31 : vector<2048x128xf32>
    %logistic3A_35 = arith.divf %logistic3A_33, %logistic3A_34 : vector<2048x128xf32>
    %mul3A_36 = arith.mulf %add3A_30, %logistic3A_35 : vector<2048x128xf32>
    %add3A_37 = arith.addf %mul3A_36, %get3A_9 : vector<2048x128xf32>
    %get3A_38 = arith.constant 0 : index
    %get3A_39 = arith.constant 0 : index
    %get3A_40 = vector.load %arg7[%get3A_38, %get3A_39] : memref<128x128xf32, #tpu.memory_space<vmem>>, vector<128x128xf32>
    %dot_general3A_41 = arith.constant dense<0.000000e+00> : vector<2048x128xf32>
    %dot_general3A_42 = tpu.matmul %add3A_37, %get3A_40, %dot_general3A_41 {dimension_numbers = #tpu.dot_dimension_numbers<[1], [0], [0], [1], [0, 0, 1, 1], [], []>, transpose_lhs_hint = false} : vector<2048x128xf32>, vector<128x128xf32>, vector<2048x128xf32> -> vector<2048x128xf32>
    %get3A_43 = arith.constant 0 : index
    %get3A_44 = arith.constant 0 : index
    %get3A_45 = vector.load %arg8[%get3A_43, %get3A_44] : memref<1x128xf32, #tpu.memory_space<vmem>>, vector<1x128xf32>
    %add3A_46 = vector.broadcast %get3A_45 : vector<1x128xf32> to vector<2048x128xf32>
    %add3A_47 = arith.addf %dot_general3A_42, %add3A_46 : vector<2048x128xf32>
    %get3A_48 = arith.constant 0 : index
    %get3A_49 = arith.constant 0 : index
    %get3A_50 = vector.load %arg9[%get3A_48, %get3A_49] : memref<128x128xf32, #tpu.memory_space<vmem>>, vector<128x128xf32>
    %dot_general3A_51 = arith.constant dense<0.000000e+00> : vector<2048x128xf32>
    %dot_general3A_52 = tpu.matmul %add3A_47, %get3A_50, %dot_general3A_51 {dimension_numbers = #tpu.dot_dimension_numbers<[1], [0], [0], [1], [0, 0, 1, 1], [], []>, transpose_lhs_hint = false} : vector<2048x128xf32>, vector<128x128xf32>, vector<2048x128xf32> -> vector<2048x128xf32>
    %get3A_53 = arith.constant 0 : index
    %get3A_54 = arith.constant 0 : index
    %get3A_55 = vector.load %arg10[%get3A_53, %get3A_54] : memref<1x128xf32, #tpu.memory_space<vmem>>, vector<1x128xf32>
    %add3A_56 = vector.broadcast %get3A_55 : vector<1x128xf32> to vector<2048x128xf32>
    %add3A_57 = arith.addf %dot_general3A_52, %add3A_56 : vector<2048x128xf32>
    %get3A_58 = arith.constant 0 : index
    %get3A_59 = arith.constant 0 : index
    %get3A_60 = vector.load %arg11[%get3A_58, %get3A_59] : memref<128x128xf32, #tpu.memory_space<vmem>>, vector<128x128xf32>
    %dot_general3A_61 = arith.constant dense<0.000000e+00> : vector<2048x128xf32>
    %dot_general3A_62 = tpu.matmul %add3A_47, %get3A_60, %dot_general3A_61 {dimension_numbers = #tpu.dot_dimension_numbers<[1], [0], [0], [1], [0, 0, 1, 1], [], []>, transpose_lhs_hint = false} : vector<2048x128xf32>, vector<128x128xf32>, vector<2048x128xf32> -> vector<2048x128xf32>
    %get3A_63 = arith.constant 0 : index
    %get3A_64 = arith.constant 0 : index
    %get3A_65 = vector.load %arg12[%get3A_63, %get3A_64] : memref<1x128xf32, #tpu.memory_space<vmem>>, vector<1x128xf32>
    %add3A_66 = vector.broadcast %get3A_65 : vector<1x128xf32> to vector<2048x128xf32>
    %add3A_67 = arith.addf %dot_general3A_62, %add3A_66 : vector<2048x128xf32>
    %mul3A_68 = vector.broadcast %convert_element_type3A_6 : vector<2048x1xf32> to vector<2048x128xf32>
    %mul3A_69 = arith.mulf %mul3A_68, %add3A_67 : vector<2048x128xf32>
    %add3A_70 = arith.addf %add3A_57, %mul3A_69 : vector<2048x128xf32>
    %logistic3A_71 = arith.negf %add3A_70 : vector<2048x128xf32>
    %logistic3A_72 = math.exp %logistic3A_71 : vector<2048x128xf32>
    %logistic3A_73 = arith.constant 1.000000e+00 : f32
    %logistic3A_74 = vector.broadcast %logistic3A_73 : f32 to vector<2048x128xf32>
    %logistic3A_75 = arith.addf %logistic3A_74, %logistic3A_72 : vector<2048x128xf32>
    %logistic3A_76 = arith.divf %logistic3A_74, %logistic3A_75 : vector<2048x128xf32>
    %mul3A_77 = arith.mulf %add3A_70, %logistic3A_76 : vector<2048x128xf32>
    %add3A_78 = arith.addf %mul3A_77, %add3A_47 : vector<2048x128xf32>
    %get3A_79 = arith.constant 0 : index
    %get3A_80 = arith.constant 0 : index
    %get3A_81 = vector.load %arg13[%get3A_79, %get3A_80] : memref<128x128xf32, #tpu.memory_space<vmem>>, vector<128x128xf32>
    %dot_general3A_82 = arith.constant dense<0.000000e+00> : vector<2048x128xf32>
    %dot_general3A_83 = tpu.matmul %add3A_78, %get3A_81, %dot_general3A_82 {dimension_numbers = #tpu.dot_dimension_numbers<[1], [0], [0], [1], [0, 0, 1, 1], [], []>, transpose_lhs_hint = false} : vector<2048x128xf32>, vector<128x128xf32>, vector<2048x128xf32> -> vector<2048x128xf32>
    %get3A_84 = arith.constant 0 : index
    %get3A_85 = arith.constant 0 : index
    %get3A_86 = vector.load %arg14[%get3A_84, %get3A_85] : memref<1x128xf32, #tpu.memory_space<vmem>>, vector<1x128xf32>
    %add3A_87 = vector.broadcast %get3A_86 : vector<1x128xf32> to vector<2048x128xf32>
    %add3A_88 = arith.addf %dot_general3A_83, %add3A_87 : vector<2048x128xf32>
    %swap3A = arith.constant 0 : index
    %swap3A_89 = arith.constant 0 : index
    %swap3A_90 = vector.load %arg15[%swap3A, %swap3A_89] : memref<2048x128xf32, #tpu.memory_space<vmem>>, vector<2048x128xf32>
    tpu.vector_store %arg15[%swap3A, %swap3A_89], %add3A_88 {strides = array<i32>} : memref<2048x128xf32, #tpu.memory_space<vmem>>, vector<2048x128xf32>,
    return
  }
  func.func @transform_0(%arg0: i32) -> (i32, i32) {
    %c0_i32 = arith.constant 0 : i32
    %c0_i32_0 = arith.constant 0 : i32
    return %arg0, %c0_i32 : i32, i32
  }
  func.func @transform_1(%arg0: i32) -> (i32, i32) {
    %c0_i32 = arith.constant 0 : i32
    %c0_i32_0 = arith.constant 0 : i32
    return %c0_i32, %arg0 : i32, i32
  }
  func.func @transform_2(%arg0: i32) -> (i32, i32) {
    %c0_i32 = arith.constant 0 : i32
    %c0_i32_0 = arith.constant 0 : i32
    %c0_i32_1 = arith.constant 0 : i32
    return %c0_i32, %c0_i32_0 : i32, i32
  }
  func.func @transform_3(%arg0: i32) -> (i32, i32) {
    %c0_i32 = arith.constant 0 : i32
    %c0_i32_0 = arith.constant 0 : i32
    %c0_i32_1 = arith.constant 0 : i32
    return %c0_i32, %c0_i32_0 : i32, i32
  }
  func.func @transform_4(%arg0: i32) -> (i32, i32) {
    %c0_i32 = arith.constant 0 : i32
    %c0_i32_0 = arith.constant 0 : i32
    %c0_i32_1 = arith.constant 0 : i32
    return %c0_i32, %c0_i32_0 : i32, i32
  }
  func.func @transform_5(%arg0: i32) -> (i32, i32) {
    %c0_i32 = arith.constant 0 : i32
    %c0_i32_0 = arith.constant 0 : i32
    %c0_i32_1 = arith.constant 0 : i32
    return %c0_i32, %c0_i32_0 : i32, i32
  }
  func.func @transform_6(%arg0: i32) -> (i32, i32) {
    %c0_i32 = arith.constant 0 : i32
    %c0_i32_0 = arith.constant 0 : i32
    %c0_i32_1 = arith.constant 0 : i32
    return %c0_i32, %c0_i32_0 : i32, i32
  }
  func.func @transform_7(%arg0: i32) -> (i32, i32) {
    %c0_i32 = arith.constant 0 : i32
    %c0_i32_0 = arith.constant 0 : i32
    %c0_i32_1 = arith.constant 0 : i32
    return %c0_i32, %c0_i32_0 : i32, i32
  }
  func.func @transform_8(%arg0: i32) -> (i32, i32) {
    %c0_i32 = arith.constant 0 : i32
    %c0_i32_0 = arith.constant 0 : i32
    %c0_i32_1 = arith.constant 0 : i32
    return %c0_i32, %c0_i32_0 : i32, i32
  }
  func.func @transform_9(%arg0: i32) -> (i32, i32) {
    %c0_i32 = arith.constant 0 : i32
    %c0_i32_0 = arith.constant 0 : i32
    %c0_i32_1 = arith.constant 0 : i32
    return %c0_i32, %c0_i32_0 : i32, i32
  }
  func.func @transform_10(%arg0: i32) -> (i32, i32) {
    %c0_i32 = arith.constant 0 : i32
    %c0_i32_0 = arith.constant 0 : i32
    %c0_i32_1 = arith.constant 0 : i32
    return %c0_i32, %c0_i32_0 : i32, i32
  }
  func.func @transform_11(%arg0: i32) -> (i32, i32) {
    %c0_i32 = arith.constant 0 : i32
    %c0_i32_0 = arith.constant 0 : i32
    %c0_i32_1 = arith.constant 0 : i32
    return %c0_i32, %c0_i32_0 : i32, i32
  }
  func.func @transform_12(%arg0: i32) -> (i32, i32) {
    %c0_i32 = arith.constant 0 : i32
    %c0_i32_0 = arith.constant 0 : i32
    %c0_i32_1 = arith.constant 0 : i32
    return %c0_i32, %c0_i32_0 : i32, i32
  }
  func.func @transform_13(%arg0: i32) -> (i32, i32) {
    %c0_i32 = arith.constant 0 : i32
    %c0_i32_0 = arith.constant 0 : i32
    %c0_i32_1 = arith.constant 0 : i32
    return %c0_i32, %c0_i32_0 : i32, i32
  }
  func.func @transform_14(%arg0: i32) -> (i32, i32) {
    %c0_i32 = arith.constant 0 : i32
    %c0_i32_0 = arith.constant 0 : i32
    return %arg0, %c0_i32 : i32, i32
  }
}

</mosaic_0001>

<sc_bundles>
// kernel: kernel.4.cloned.1.call-start
scs
__scs_entry_jumppad:
0x0: {  	(pc) =	sbr.rel $0x88, $3  }
0x1: {  	(tag) =	ssettag $0x0;
	lr =	simm.s32 $0x1  }
0x2: {  	[smem:$0x3F93] =	sst lr;
	_ =	strace $0xD0000000  }
0x3: {  	_ = 	snop  }
0x4: {  	_ = 	snop  }
0x5: {  	_ = 	snop  }
0x6: {  	_ = 	snop  }
0x7: {  	_ = 	snop  }
__scs_overlays_trampoline_lowered:
0x8: {  	[smem:$0x3FA2] =	sst s0  }
0x9: {  	[smem:$0x3FA3] =	sst s1  }
0xa: {  	[smem:$0x3FA4] =	sst s2  }
0xb: {  	[smem:$0x3FA5] =	sst s3  }
0xc: {  	[smem:$0x3FA6] =	sst s4  }
0xd: {  	[smem:$0x3FA7] =	sst s5  }
0xe: {  	[smem:$0x3FA8] =	sst s6  }
0xf: {  	[smem:$0x3FA9] =	sst s7  }
0x10: {  	[smem:$0x3FAA] =	sst s8  }
0x11: {  	[smem:$0x3FAB] =	sst s9;
	s0 =	simm.s32 @!p0 $0x0  }
0x12: {  	s1 =	sld [smem:$0x3F91];
	s0 =	simm.s32 @p0 $0x1  }
0x13: {  	[smem:$0x3FAC] =	sst s0;
	s0 =	simm.s32 @!p1 $0x0  }
0x14: {  	s2 =	sld [smem:$0x3F90];
	s0 =	simm.s32 @p1 $0x1  }
0x15: {  	[smem:$0x3FAD] =	sst s0;
	s0 =	simm.s32 @!p2 $0x0  }
0x16: {  	s3 =	sld [smem:$0x3FDB];
	s0 =	simm.s32 @p2 $0x1  }
0x17: {  	s4 =	simm.s32 $0x1BF5;
	[smem:$0x3FAF] =	sst s0  }
0x18: {  	s0 =	sld [smem:$0x3F92];
	_ =	swait.ge [sflag:s4], $0x0  }
0x19: {  	s7 =	sld [smem:$0x3F93]  }
0x1a: {  	s8 =	sadd.s32 $0xFFFFE003, lr  }
0x1b: {  	s9 =	sadd.s32 $0xFFFFFEF7, lr;
	s5 =	simm.s32 $0xFFFFFFFF;
	p2 =	slt.u32 s8, $0xFFFFF086  }
0x1c: {  	p1 =	slt.u32 s9, $0xF7A;
	s5 =	simm.s32 @!p2 $0x0  }
0x1d: {  	s5 =	simm.s32 @p1 $0x1;
	p0 =	seq.s32 s7, s2  }
0x1e: {  	s7 =	smul.u32 @!p0 $0xF7A, s2;
	p2 =	seq.s32 @!p0 s5, $0x0  }
0x1f: {  	s9 =	smul.u32 $0xF7A, s1;
	s8 =	simm.s32 @!p0 $0x1BF5;
	p2 =	por !p2, p0  }
0x20: {  	[sflag:s8] =	ssyncset.s32 @!p0 $0xFFFFF086;
	s6 =	sadd.s32 @!p0 s3, s7;
	s7 =	simm.s32 @!p0 $0x108  }
0x21: {  	s3 =	sadd.s32 s3, s9;
	s6 =	sadd.s32 @!p0 $0x88, s6;
	s7 =	simm.s32 @p2 $0x1082  }
0x22: {  	[simem:s7], [sflag:s8] =	dma.local @!p0 [hbm:s6], $0xF7A  }
0x23: {  	s9 =	sor.u32 $0xD0000000, s2;
	s6 =	simm.s32 $0x108;
	_ =	swait.ge @!p0 [sflag:s8], $0x0  }
0x24: {  	s3 =	sadd.s32 $0x88, s3;
	s6 =	simm.s32 @!p1 $0x1082;
	[sflag:s4] =	ssyncset.s32 $0xFFFFF086  }
0x25: {  	[simem:s6], [sflag:s4] =	dma.local [hbm:s3], $0xF7A  }
0x26: {  	[smem:$0x3F93] =	sst s1;
	(tag) =	ssettag s2;
	_ =	strace s9  }
0x27: {  	s1 =	sld [smem:$0x3FA3]  }
0x28: {  	s2 =	sld [smem:$0x3FA4]  }
0x29: {  	s4 =	sld [smem:$0x3FA6]  }
0x2a: {  	p0 =	seq.s32 s5, $0x0;
	s5 =	sld [smem:$0x3FA7]  }
0x2b: {  	s6 =	sld [smem:$0x3FA8]  }
0x2c: {  	s7 =	sld [smem:$0x3FA9]  }
0x2d: {  	s3 =	simm.s32 $0x108;
	s8 =	sld [smem:$0x3FAA]  }
0x2e: {  	s3 =	simm.s32 @!p0 $0x1082;
	s9 =	sld [smem:$0x3FAB]  }
0x2f: {  	lr =	sadd.s32 s0, s3;
	s0 =	sld [smem:$0x3FA2]  }
0x30: {  	s3 =	sld [smem:$0x3FA5]  }
0x31: {  	[smem:$0x3FAE] =	sst s10  }
0x32: {  	s10 =	sld [smem:$0x3FAC];
	_ =	sdelay $0x3  }
0x33: {  	p0 =	seq.s32 s10, $0x1;
	s10 =	sld [smem:$0x3FAE];
	_ =	sdelay $0x3  }
0x34: {  	[smem:$0x3FAE] =	sst s10  }
0x35: {  	s10 =	sld [smem:$0x3FAD];
	_ =	sdelay $0x3  }
0x36: {  	p1 =	seq.s32 s10, $0x1;
	s10 =	sld [smem:$0x3FAE];
	_ =	sdelay $0x3  }
0x37: {  	[smem:$0x3FAE] =	sst s10  }
0x38: {  	s10 =	sld [smem:$0x3FAF]  }
0x39: {  	_ = 	snop;
	(pc) =	sbr.ind lr, $3  }
0x3a: {  	_ = 	snop  }
0x3b: {  	_ = 	snop  }
0x3c: {  	p2 =	seq.s32 s10, $0x1;
	s10 =	sld [smem:$0x3FAE]  }
0x3d: {  	_ =	shalt  }
0x3e: {  	_ =	shalt  }
0x3f: {  	_ =	shalt  }
0x40: {  	_ =	shalt  }
0x41: {  	_ =	shalt  }
0x42: {  	_ =	shalt  }
0x43: {  	_ =	shalt  }
0x44: {  	_ =	shalt  }
0x45: {  	_ =	shalt  }
0x46: {  	_ =	shalt  }
0x47: {  	_ =	shalt  }
0x48: {  	_ =	shalt  }
0x49: {  	_ =	shalt  }
0x4a: {  	_ =	shalt  }
0x4b: {  	_ =	shalt  }
0x4c: {  	_ =	shalt  }
0x4d: {  	_ =	shalt  }
0x4e: {  	_ =	shalt  }
0x4f: {  	_ =	shalt  }
0x50: {  	_ =	shalt  }
0x51: {  	_ =	shalt  }
0x52: {  	_ =	shalt  }
0x53: {  	_ =	shalt  }
0x54: {  	_ =	shalt  }
0x55: {  	_ =	shalt  }
0x56: {  	_ =	shalt  }
0x57: {  	_ =	shalt  }
0x58: {  	_ =	shalt  }
0x59: {  	_ =	shalt  }
0x5a: {  	_ =	shalt  }
0x5b: {  	_ =	shalt  }
0x5c: {  	_ =	shalt  }
0x5d: {  	_ =	shalt  }
0x5e: {  	_ =	shalt  }
0x5f: {  	_ =	shalt  }
0x60: {  	_ =	shalt  }
0x61: {  	_ =	shalt  }
0x62: {  	_ =	shalt  }
0x63: {  	_ =	shalt  }
0x64: {  	_ =	shalt  }
0x65: {  	_ =	shalt  }
0x66: {  	_ =	shalt  }
0x67: {  	_ =	shalt  }
0x68: {  	_ =	shalt  }
0x69: {  	_ =	shalt  }
0x6a: {  	_ =	shalt  }
0x6b: {  	_ =	shalt  }
0x6c: {  	_ =	shalt  }
0x6d: {  	_ =	shalt  }
0x6e: {  	_ =	shalt  }
0x6f: {  	_ =	shalt  }
0x70: {  	_ =	shalt  }
0x71: {  	_ =	shalt  }
0x72: {  	_ =	shalt  }
0x73: {  	_ =	shalt  }
0x74: {  	_ =	shalt  }
0x75: {  	_ =	shalt  }
0x76: {  	_ =	shalt  }
0x77: {  	_ =	shalt  }
0x78: {  	_ =	shalt  }
0x79: {  	_ =	shalt  }
0x7a: {  	_ =	shalt  }
0x7b: {  	_ =	shalt  }
0x7c: {  	_ =	shalt  }
0x7d: {  	_ =	shalt  }
0x7e: {  	_ =	shalt  }
0x7f: {  	_ =	shalt  }
0x80: {  	_ =	shalt  }
0x81: {  	_ =	shalt  }
0x82: {  	_ =	shalt  }
0x83: {  	_ =	shalt  }
0x84: {  	_ =	shalt  }
0x85: {  	_ =	shalt  }
0x86: {  	_ =	shalt  }
0x87: {  	_ =	shalt  }
.Lfunc_end0:
.L_simem_size_0:
called_computation_lowered:
.L_overlay_start_0:
0x88: {  	s2 =	sld [smem:$0x3FD9]  }
0x89: {  	s3 =	sld [smem:$0x3FFE];
	_ =	sdelay $0x1  }
0x8a: {  	s1 =	srdreg.scid  }
0x8b: {  	s0 =	sand.u32 $0x1, s1  }
0x8c: {  	s17 =	sshll.u32 s0, $0xA;
	s2 =	sadd.s32 s3, s2  }
0x8d: {  	s2 =	sadd.s32 s2, s17  }
0x8e: {  	[smem:$0x3FBA] =	sst s2  }
0x8f: {  	_ = 	snop  }
0x90: {  	s2 =	sld [smem:$0x3FD0];
	(tm) =	ssettm $0x1  }
0x91: {  	s18 =	sld [smem:$0x3FFB];
	_ =	sdelay $0x3  }
0x92: {  	_ =	strace s18  }
0x93: {  	s3 =	sld [smem:$0x3FFC];
	_ =	sdelay $0x3  }
0x94: {  	_ =	strace s3  }
0x95: {  	s3 =	sld [smem:$0x3FFD];
	_ =	sdelay $0x3  }
0x96: {  	_ =	strace s3  }
0x97: {  	_ =	strace $0x8FFFFFFF  }
0x98: {  	s19 =	sld [smem:$0x3FDB];
	_ =	sdelay $0x1  }
0x99: {  	s4 =	simm.s32 $_scs_section_size  }
0x9a: {  	s5 =	simm.s32 $_size__tile_overlayer_lowered;
	s6 =	simm.s32 $_tile_overlayer_lowered  }
0x9b: {  	s22 =	simm.s32 $0x1BFF;
	s21 =	sshll.u32 s6, $0x1;
	s3 =	sadd.s32 s4, s19  }
0x9c: {  	s7 =	simm.s32 $0x0;
	s20 =	sshll.u32 s5, $0x1;
	s5 =	sadd.s32 s21, s3  }
0x9d: {  	[timem:s7], [sflag:s22] =	dma.local [hbm:s5], s20  }
0x9e: {  	_ =	swait.ge [sflag:s22], s20  }
0x9f: {  	s4 =	ssub.s32 $0x0, s20;
	[sflag:s22] =	ssyncset.done $0x0  }
0xa0: {  	[sflag:s22] =	ssyncadd.s32 s4;
	_ =	sdelay $0x1  }
0xa1: {  	s23 =	simm.s32 $0x1B8B  }
0xa2: {  	_ =	swait.ge [sflag:s23], $0x1  }
0xa3: {  	[sflag:s23] =	ssyncset.done $0x0  }
0xa4: {  	s25 =	simm.s32 $0x1B8E;
	s24 =	sld [smem:$0x3FFE];
	[sflag:s23] =	ssyncadd.s32 $0xFFFFFFFF  }
0xa5: {  	s26 =	simm.s32 $execute0_lowered;
	[smem:$0x3FD2] =	sst s25  }
0xa6: {  	s5 =	sshll.u32 s26, $0x1;
	_ =	strace $0x80000046;
	[dreg:$0x1] =	wrdreg $0xFFFFFFFF  }
0xa7: {  	s28 =	simm.s32 $_size_execute0_lowered;
	s3 =	sadd.s32 s3, s5;
	[dreg:$0x0] =	wrdreg $0x0  }
0xa8: {  	s5 =	sshll.u32 s28, $0x1;
	[dreg:$0x2] =	wrdreg s3  }
0xa9: {  	[dreg:$0x3] =	wrdreg s5  }
0xaa: {  	[dreg:$0x4] =	wrdreg $0xC0  }
0xab: {  	_ =	task [dreg:s7], $0x5FFFF  }
0xac: {  	[dreg:$0x1] =	wrdreg $0xFFFFFFFF  }
0xad: {  	[dreg:$0x0] =	wrdreg $0x60  }
0xae: {  	[dreg:$0x2] =	wrdreg s2  }
0xaf: {  	[dreg:$0x3] =	wrdreg s24  }
0xb0: {  	[dreg:$0x4] =	wrdreg $0x14800  }
0xb1: {  	[dreg:$0x5] =	wrdreg $0x9  }
0xb2: {  	_ =	task.clear_ibuf [dreg:s7], $0x6FFFF;
	_ =	strace $0x90000046  }
0xb3: {  	s29 =	simm.s32 $0x9;
	_ =	strace $0x80000048  }
0xb4: {  	_ =	swait.ge [sflag:s29], $0x1  }
0xb5: {  	[sflag:s29] =	ssyncadd.s32 $0xFFFFFFFF  }
0xb6: {  	_ =	strace $0x90000048  }
0xb7: {  	_ =	sfence  }
0xb8: {  	s30 =	sld [smem:$0x0];
	_ =	sdelay $0x2  }
0xb9: {  	s31 =	sshll.u32 s1, $0xD;
	s1 =	sshrl.u32 s1, $0x2  }
0xba: {  	s3 =	sand.u32 $0x4000, s31;
	s1 =	sadd.s32 s1, s30  }
0xbb: {  	s0 =	sor.u32 s3, s0;
	s1 =	sshll.u32 s1, $0x11  }
0xbc: {  	s0 =	sor.u32 s1, s0  }
0xbd: {  	s0 =	sadd.s32 $0x8F2B, s0  }
0xbe: {  	[sflag:s0] =	ssyncadd.remote.s32 $0x1  }
0xbf: {  	_ =	sfence.sel $0xFFFF  }
0xc0: {  	[dreg:$0x0] =	wrdreg $0xFFFFFFFF;
	(pc) =	sbr.abs _section_cstart, $3  }
0xc1: {  	[dreg:$0x1] =	wrdreg $0xFFFFFFFF  }
0xc2: {  	_ =	task.clear_ibuf [dreg:s7], $0x2FFFF;
	_ =	strace $0x9FFFFFFF  }
0xc3: {  	(tm) =	ssettm $0x7FFFFFFF  }
tec
execute0_lowered:
.L_overlay_start_1:
0x0: {  	(tag) =	ssettag $0x1  }
0x1: {  	s2 =	rddreg [dreg:$0x0]  }
0x2: {  	s8 =	rddreg [dreg:$0x1]  }
0x3: {  	s5 =	rddreg [dreg:$0x2];
	s1 =	simm.s32 $0x0  }
0x4: {  	v0 =	vimm.f32 $1.000000000e+00;
	[smem:$0x7FF] =	sst s1  }
0x5: {  	s0 =	rddreg [dreg:$0x3];
	_ =	strace $0x80000047;
	[tilespmem:$0x1420] =	vst v0  }
0x6: {  	[tilespmem:$0x1430] =	vst v0  }
0x7: {  	s3 =	srdreg.scid;
	s6 =	stileid.u32;
	[tilespmem:$0x1440] =	vst v0  }
0x8: {  	s9 =	sand.u32 $0x1, s3;
	s30 =	sshll.u32 s6, $0x1;
	[tilespmem:$0x1400] =	vst v0  }
0x9: {  	s3 =	sor.u32 s9, s30;
	[tilespmem:$0x1470] =	vst v0  }
0xa: {  	[tilespmem:$0x1460] =	vst v0;
	s3 =	smul.u32 $0x280, s3  }
0xb: {  	[tilespmem:$0x1450] =	vst v0  }
0xc: {  	[tilespmem:$0x1410] =	vst v0;
	s2 =	sadd.s32 s2, s3;
	s3 =	simm.s32 $0x1  }
0xd: {  	[tilespmem:s1], [sflag:$0x1] =	stream.linear.gather [hbm4b:s2+s1], $0x1400, $0x38;
	[tilespmem:$0x1700] =	vst v63  }
0xe: {  	_ =	swait.ge [sflag:s3], $0x1400  }
0xf: {  	s4 =	sadd.s32 $0x1C00, s8;
	p0 =	sne.s32 s6, $0x0;
	[sflag:s3] =	ssyncset.done $0x0  }
0x10: {  	s10 =	ssub.s32 $0x2, s9;
	s6 =	sshrl.u32 @!p0 s5, $0x3;
	[sflag:s3] =	ssyncadd.s32 $0xFFFFEC00  }
0x11: {  	s7 =	simm.s32 @!p0 $0x1C01;
	s11 =	sshrl.u32 s10, $0x1;
	[bflag:$0x0] =	sbarrier.arrive @p0 $0xFFFF  }
0x12: {  	s5 =	simm.s32 @!p0 $0x1;
	s10 =	ssub.s32 s10, s11;
	[bflag:$0x0] =	sbarrier.arrive @p0 $0xFFFF  }
0x13: {  	[spmem:s6], [sflag:s7] =	dma.local @!p0 [hbm:s4], $0x500  }
0x14: {  	s9 =	sshll.u32 s9, $0x4;
	s31 =	smax.u32 s10, $0x1;
	_ =	swait.ge @!p0 [sflag:s5], $0x500  }
0x15: {  	s8 =	sadd.s32 s9, s8;
	s9 =	sadd.s32 $0xFFFFFFFF, s31;
	[sflag:s5] =	ssyncset.done @!p0 $0x0  }
0x16: {  	p1 =	sne.s32 s9, $0x0;
	[sflag:s5] =	ssyncadd.s32 @!p0 $0xFFFFFB00  }
.Ltmp0:
0x17: {  	s8 =	sadd.s32 $0x2200, s8;
	[bflag:$0x0] =	sbarrier.arrive @!p0 $0xFFFF;
	(pc) =	sbr.rel @!p1 .LBB2_2-.Ltmp0, $4  }
0x18: {  	s11 =	simm.s32 @!p0 $0x10;
	s10 =	simm.s32 @!p0 $0x20;
	[bflag:$0x0] =	sbarrier.arrive @!p0 $0xFFFF  }
0x19: {  	[hbm:s8@s10], [sflag:s7] =	dma.strided @!p0 [spmem:s6@s11], $0x500, s5, $0x10   }
0x1a: {  	_ =	swait.ge @!p0 [sflag:s5], $0x500  }
0x1b: {  	[sflag:s5] =	ssyncset.done @!p0 $0x0  }
.LBB2_1:
0x1c: {  	s9 =	sadd.s32 $0xFFFFFFFF, s9;
	[sflag:s5] =	ssyncadd.s32 @!p0 $0xFFFFFB00  }
0x1d: {  	[tilespmem:$0x1420] =	vst v0;
	p1 =	sne.s32 s9, $0x0  }
0x1e: {  	[tilespmem:$0x1430] =	vst v0  }
0x1f: {  	[tilespmem:$0x1440] =	vst v0  }
0x20: {  	[tilespmem:$0x1400] =	vst v0  }
0x21: {  	[tilespmem:$0x1470] =	vst v0  }
0x22: {  	[tilespmem:$0x1460] =	vst v0  }
0x23: {  	[tilespmem:$0x1450] =	vst v0  }
0x24: {  	[tilespmem:$0x1410] =	vst v0  }
0x25: {  	[tilespmem:s1], [sflag:$0x1] =	stream.linear.gather [hbm4b:s2+s1], $0x1400, $0x38;
	[tilespmem:$0x1700] =	vst v63  }
0x26: {  	_ =	swait.ge [sflag:s3], $0x1400  }
0x27: {  	[sflag:s3] =	ssyncset.done $0x0  }
0x28: {  	[sflag:s3] =	ssyncadd.s32 $0xFFFFEC00  }
0x29: {  	[bflag:$0x0] =	sbarrier.arrive @p0 $0xFFFF  }
0x2a: {  	[bflag:$0x0] =	sbarrier.arrive @p0 $0xFFFF  }
0x2b: {  	[spmem:s6], [sflag:s7] =	dma.local @!p0 [hbm:s4], $0x500  }
0x2c: {  	_ =	swait.ge @!p0 [sflag:s5], $0x500  }
0x2d: {  	[sflag:s5] =	ssyncset.done @!p0 $0x0  }
0x2e: {  	[sflag:s5] =	ssyncadd.s32 @!p0 $0xFFFFFB00  }
.Ltmp1:
0x2f: {  	[bflag:$0x0] =	sbarrier.arrive @!p0 $0xFFFF;
	(pc) =	sbr.rel @p1 .LBB2_1-.Ltmp1, $4  }
0x30: {  	[bflag:$0x0] =	sbarrier.arrive @!p0 $0xFFFF  }
0x31: {  	[hbm:s8@s10], [sflag:s7] =	dma.strided @!p0 [spmem:s6@s11], $0x500, s5, $0x10   }
0x32: {  	_ =	swait.ge @!p0 [sflag:s5], $0x500  }
0x33: {  	[sflag:s5] =	ssyncset.done @!p0 $0x0  }
.LBB2_2:
0x34: {  	[sflag:s5] =	ssyncadd.s32 @!p0 $0xFFFFFB00  }
0x35: {  	_ =	sfence.sel $0x180000  }
0x36: {  	[bflag:$0x0] =	sbarrier.arrive $0xFFFF  }
0x37: {  	_ =	strace $0x90000047  }
0x38: {  	s0 =	sadd.s32 @!p0 $0x100000, s0;
	[bflag:$0x2] =	sbarrier.arrive $0xFFFF  }
0x39: {  	[sflag:s0] =	ssyncadd.tile.s32 @!p0 $0x1;
	_ =	shalt  }
.Lfunc_end2:
_tile_overlayer_lowered:
.L_overlay_start_2:
0x3a: {  	(tag) =	ssettag $0x2  }
0x3b: {  	s0 =	rddreg [dreg:$0x0];
	s2 =	stileid.u32  }
0x3c: {  	s1 =	rddreg [dreg:$0x1];
	p0 =	sne.s32 s2, $0x0  }
0x3d: {  	s3 =	rddreg [dreg:$0x2];
	[bflag:$0x3] =	sbarrier.arrive $0xFFFF;
	s2 =	simm.s32 @!p0 $0x1C01  }
0x3e: {  	[timem:s3], [sflag:s2] =	dma.local @!p0 [hbm:s0], s1  }
0x3f: {  	s0 =	simm.s32 @!p0 $0x1  }
0x40: {  	_ =	swait.ge @!p0 [sflag:s0], s1  }
0x41: {  	s1 =	ssub.s32 @!p0 $0x0, s1;
	[sflag:s0] =	ssyncset.done @!p0 $0x0  }
0x42: {  	[sflag:s0] =	ssyncadd.s32 @!p0 s1  }
0x43: {  	[bflag:$0x3] =	sbarrier.arrive $0xFFFF  }
0x44: {  	_ =	shalt  }

</sc_bundles>
